<compile_context>
chip_gen: v7x
topology: tpu7x:2x2x1
jax: 0.10.2.dev20260603
libtpu: 0.0.44.dev20260713+nightly
codegen_flags: <defaults>
</compile_context>

<pallas_src>
import jax
import jax.numpy as jnp
import numpy as np
from jax import lax
from jax.experimental import pallas as pl
from jax.experimental.pallas import tpu as pltpu
from jax.experimental.pallas import tpu_sc as plsc

_FACTOR = 8

_rng = np.random.RandomState(0)
_FIXED_IDX = np.stack(
    [_rng.choice(_FACTOR, _FACTOR, replace=False),
     _rng.choice(_FACTOR, _FACTOR, replace=False)],
).astype(np.int32)

_R_BLOCK = 10896


def _body(img_ref, out_img_ref):
    out_img_ref[...] = img_ref[...]


def _idx_sc_body(idx_hbm, out_idx_hbm, idx_s, out_s):
    c = lax.axis_index("c")

    @pl.when(c == 0)
    def _():
        pltpu.sync_copy(idx_hbm, idx_s)
        nz = idx_s[0] != 0
        for k in range(1, 16):
            nz = nz | (idx_s[k] != 0)
        for k in range(16):
            out_s[k] = jnp.where(nz, idx_s[k],
                                 jnp.int32(_FIXED_IDX.ravel()[k]))
        pltpu.sync_copy(out_s, out_idx_hbm)


def kernel(img, indices):
    c, h, w = img.shape
    img2 = img.reshape(c * h, w)

    out2 = pl.pallas_call(
        _body,
        grid=(pl.cdiv(c * h, _R_BLOCK),),
        in_specs=[pl.BlockSpec((_R_BLOCK, w), lambda i: (i, 0))],
        out_specs=pl.BlockSpec((_R_BLOCK, w), lambda i: (i, 0)),
        compiler_params=pltpu.CompilerParams(
            vmem_limit_bytes=64 * 1024 * 1024),
        out_shape=jax.ShapeDtypeStruct((c * h, w), img.dtype),
    )(img2)

    idx_sc = pl.kernel(
        _idx_sc_body,
        out_type=jax.ShapeDtypeStruct((16,), jnp.int32),
        mesh=plsc.ScalarSubcoreMesh(axis_name="c", num_cores=2),
        scratch_types=[
            pltpu.SMEM((16,), jnp.int32),
            pltpu.SMEM((16,), jnp.int32),
        ],
    )
    out_idx = idx_sc(indices.reshape(16)).reshape(2, _FACTOR)
    return out2.reshape(c, h, w), out_idx

# --- scband reference (transcript-rebuilt; emitter-appended) ---
"""Pipeline reference for scband-shuffle-patches-with-index-66408784330964 (READ-ONLY COPY).

The authoritative reference and input builder live on the scoring server;
editing this copy changes nothing except your own understanding.
"""

import jax, jax.numpy as jnp
import numpy as np

FACTOR = 8


def _shuffle_weight(img, factor, indices):
    # img: [C, H, W]; slices along last dim, faithful to original (including the
    # bug where `i = i * tw` makes the `i != factor - 1` branch effectively always
    # taken for tw > 1, and the fact that `patches` (original order) is concatenated,
    # not `new_patches`).
    h, w = img.shape[1], img.shape[2]
    th, tw = h // factor, w // factor
    patches = []
    for i in range(factor):
        j = i * tw
        if j != factor - 1:
            patches.append(img[..., j:j + tw])
        else:
            patches.append(img[..., j:])
    stacked = jnp.stack(patches, 0)
    new_patches = []
    for ind in indices:
        new_patches.append(stacked[ind])  # computed but unused, faithful to source
    out = jnp.concatenate(patches, -1)
    return out, indices


def setup_inputs(seed: int = 0) -> dict:
    key = jax.random.key(seed)
    k1, k2 = jax.random.split(key)
    img = jax.random.normal(k1, (96, 384, 384), dtype=jnp.float32)
    indices = jax.random.randint(k2, (2, FACTOR), 0, FACTOR, dtype=jnp.int32)
    return {"img": img, "indices": indices}


def reference(img, indices):
    any_nonzero = jnp.any(indices)

    idx1_t = indices[0]
    idx2_t = indices[1]
    out_t, _ = _shuffle_weight(img, FACTOR, idx1_t)
    out_t = jnp.transpose(out_t, (0, 2, 1))
    out_t, _ = _shuffle_weight(out_t, FACTOR, idx2_t)
    out_t = jnp.transpose(out_t, (0, 2, 1))

    rng = np.random.RandomState(0)
    idx1 = rng.choice(FACTOR, FACTOR, replace=False).tolist()
    idx2 = rng.choice(FACTOR, FACTOR, replace=False).tolist()
    out_f, _ = _shuffle_weight(img, FACTOR, idx1)
    out_f = jnp.transpose(out_f, (0, 2, 1))
    out_f, _ = _shuffle_weight(out_f, FACTOR, idx2)
    out_f = jnp.transpose(out_f, (0, 2, 1))
    new_indices = jnp.stack([jnp.asarray(idx1, dtype=jnp.int32), jnp.asarray(idx2, dtype=jnp.int32)], 0)

    out = jnp.where(any_nonzero, out_t, out_f)
    idx_out = jnp.where(any_nonzero, indices, new_indices)
    return (out, idx_out)

if __name__ == "__main__":
    import jax
    _d = setup_inputs()
    print(jax.jit(kernel)(*tuple(_d.values())))

</pallas_src>

<mosaic_0001>
#map = affine_map<(d0) -> (0)>
module attributes {stable_mosaic.version = 14 : i64} {
  func.func @_idx_sc_body(%arg0: i32, %arg1: memref<16xi32, #tpu.memory_space<hbm>>, %arg2: memref<16xi32, #tpu.memory_space<hbm>>, %arg3: memref<16xi32, #tpu.memory_space<smem>>, %arg4: memref<16xi32, #tpu.memory_space<smem>>) attributes {dimension_semantics = [#tpu.dimension_semantics<core_parallel>], iteration_bounds = array<i64: 2>, scalar_prefetch = 0 : i64, scratch_operands = 2 : i64, tpu.core_type = #tpu.core_type<sc_scalar_subcore>, window_params = [{transform_indices = #map}, {transform_indices = #map}]} {
    %eq3A = arith.constant 0 : i32
    %eq3A_0 = arith.cmpi eq, %arg0, %eq3A : i32
    %convert_element_type3A = arith.extui %eq3A_0 : i1 to i32
    %cond3A = arith.constant 0 : i32
    %cond3A_1 = arith.cmpi ne, %convert_element_type3A, %cond3A : i32
    scf.if %cond3A_1 {
      "tpu.region"() ({
        %run_scoped3A = tpu.sem_alloc : memref<!tpu.dma_semaphore, #tpu.memory_space<semaphore_mem>>
        tpu.enqueue_dma source(%arg1 : memref<16xi32, #tpu.memory_space<hbm>>) target(%arg3 : memref<16xi32, #tpu.memory_space<smem>>) target_semaphore(%run_scoped3A : memref<!tpu.dma_semaphore, #tpu.memory_space<semaphore_mem>>)
        tpu.wait_dma2 semaphore(%run_scoped3A : memref<!tpu.dma_semaphore, #tpu.memory_space<semaphore_mem>>) src(%arg1 : memref<16xi32, #tpu.memory_space<hbm>>) dst(%arg3 : memref<16xi32, #tpu.memory_space<smem>>)
        tpu.yield
      }) : () -> ()
      %get3A = arith.constant 0 : i32
      %get3A_2 = arith.index_cast %get3A : i32 to index
      %get3A_3 = memref.load %arg3[%get3A_2] : memref<16xi32, #tpu.memory_space<smem>>
      %ne3A = arith.constant 0 : i32
      %ne3A_4 = arith.cmpi ne, %get3A_3, %ne3A : i32
      %get3A_5 = arith.constant 1 : i32
      %get3A_6 = arith.index_cast %get3A_5 : i32 to index
      %get3A_7 = memref.load %arg3[%get3A_6] : memref<16xi32, #tpu.memory_space<smem>>
      %ne3A_8 = arith.constant 0 : i32
      %ne3A_9 = arith.cmpi ne, %get3A_7, %ne3A_8 : i32
      %or3A = arith.ori %ne3A_4, %ne3A_9 : i1
      %get3A_10 = arith.constant 2 : i32
      %get3A_11 = arith.index_cast %get3A_10 : i32 to index
      %get3A_12 = memref.load %arg3[%get3A_11] : memref<16xi32, #tpu.memory_space<smem>>
      %ne3A_13 = arith.constant 0 : i32
      %ne3A_14 = arith.cmpi ne, %get3A_12, %ne3A_13 : i32
      %or3A_15 = arith.ori %or3A, %ne3A_14 : i1
      %get3A_16 = arith.constant 3 : i32
      %get3A_17 = arith.index_cast %get3A_16 : i32 to index
      %get3A_18 = memref.load %arg3[%get3A_17] : memref<16xi32, #tpu.memory_space<smem>>
      %ne3A_19 = arith.constant 0 : i32
      %ne3A_20 = arith.cmpi ne, %get3A_18, %ne3A_19 : i32
      %or3A_21 = arith.ori %or3A_15, %ne3A_20 : i1
      %get3A_22 = arith.constant 4 : i32
      %get3A_23 = arith.index_cast %get3A_22 : i32 to index
      %get3A_24 = memref.load %arg3[%get3A_23] : memref<16xi32, #tpu.memory_space<smem>>
      %ne3A_25 = arith.constant 0 : i32
      %ne3A_26 = arith.cmpi ne, %get3A_24, %ne3A_25 : i32
      %or3A_27 = arith.ori %or3A_21, %ne3A_26 : i1
      %get3A_28 = arith.constant 5 : i32
      %get3A_29 = arith.index_cast %get3A_28 : i32 to index
      %get3A_30 = memref.load %arg3[%get3A_29] : memref<16xi32, #tpu.memory_space<smem>>
      %ne3A_31 = arith.constant 0 : i32
      %ne3A_32 = arith.cmpi ne, %get3A_30, %ne3A_31 : i32
      %or3A_33 = arith.ori %or3A_27, %ne3A_32 : i1
      %get3A_34 = arith.constant 6 : i32
      %get3A_35 = arith.index_cast %get3A_34 : i32 to index
      %get3A_36 = memref.load %arg3[%get3A_35] : memref<16xi32, #tpu.memory_space<smem>>
      %ne3A_37 = arith.constant 0 : i32
      %ne3A_38 = arith.cmpi ne, %get3A_36, %ne3A_37 : i32
      %or3A_39 = arith.ori %or3A_33, %ne3A_38 : i1
      %get3A_40 = arith.constant 7 : i32
      %get3A_41 = arith.index_cast %get3A_40 : i32 to index
      %get3A_42 = memref.load %arg3[%get3A_41] : memref<16xi32, #tpu.memory_space<smem>>
      %ne3A_43 = arith.constant 0 : i32
      %ne3A_44 = arith.cmpi ne, %get3A_42, %ne3A_43 : i32
      %or3A_45 = arith.ori %or3A_39, %ne3A_44 : i1
      %get3A_46 = arith.constant 8 : i32
      %get3A_47 = arith.index_cast %get3A_46 : i32 to index
      %get3A_48 = memref.load %arg3[%get3A_47] : memref<16xi32, #tpu.memory_space<smem>>
      %ne3A_49 = arith.constant 0 : i32
      %ne3A_50 = arith.cmpi ne, %get3A_48, %ne3A_49 : i32
      %or3A_51 = arith.ori %or3A_45, %ne3A_50 : i1
      %get3A_52 = arith.constant 9 : i32
      %get3A_53 = arith.index_cast %get3A_52 : i32 to index
      %get3A_54 = memref.load %arg3[%get3A_53] : memref<16xi32, #tpu.memory_space<smem>>
      %ne3A_55 = arith.constant 0 : i32
      %ne3A_56 = arith.cmpi ne, %get3A_54, %ne3A_55 : i32
      %or3A_57 = arith.ori %or3A_51, %ne3A_56 : i1
      %get3A_58 = arith.constant 10 : i32
      %get3A_59 = arith.index_cast %get3A_58 : i32 to index
      %get3A_60 = memref.load %arg3[%get3A_59] : memref<16xi32, #tpu.memory_space<smem>>
      %ne3A_61 = arith.constant 0 : i32
      %ne3A_62 = arith.cmpi ne, %get3A_60, %ne3A_61 : i32
      %or3A_63 = arith.ori %or3A_57, %ne3A_62 : i1
      %get3A_64 = arith.constant 11 : i32
      %get3A_65 = arith.index_cast %get3A_64 : i32 to index
      %get3A_66 = memref.load %arg3[%get3A_65] : memref<16xi32, #tpu.memory_space<smem>>
      %ne3A_67 = arith.constant 0 : i32
      %ne3A_68 = arith.cmpi ne, %get3A_66, %ne3A_67 : i32
      %or3A_69 = arith.ori %or3A_63, %ne3A_68 : i1
      %get3A_70 = arith.constant 12 : i32
      %get3A_71 = arith.index_cast %get3A_70 : i32 to index
      %get3A_72 = memref.load %arg3[%get3A_71] : memref<16xi32, #tpu.memory_space<smem>>
      %ne3A_73 = arith.constant 0 : i32
      %ne3A_74 = arith.cmpi ne, %get3A_72, %ne3A_73 : i32
      %or3A_75 = arith.ori %or3A_69, %ne3A_74 : i1
      %get3A_76 = arith.constant 13 : i32
      %get3A_77 = arith.index_cast %get3A_76 : i32 to index
      %get3A_78 = memref.load %arg3[%get3A_77] : memref<16xi32, #tpu.memory_space<smem>>
      %ne3A_79 = arith.constant 0 : i32
      %ne3A_80 = arith.cmpi ne, %get3A_78, %ne3A_79 : i32
      %or3A_81 = arith.ori %or3A_75, %ne3A_80 : i1
      %get3A_82 = arith.constant 14 : i32
      %get3A_83 = arith.index_cast %get3A_82 : i32 to index
      %get3A_84 = memref.load %arg3[%get3A_83] : memref<16xi32, #tpu.memory_space<smem>>
      %ne3A_85 = arith.constant 0 : i32
      %ne3A_86 = arith.cmpi ne, %get3A_84, %ne3A_85 : i32
      %or3A_87 = arith.ori %or3A_81, %ne3A_86 : i1
      %get3A_88 = arith.constant 15 : i32
      %get3A_89 = arith.index_cast %get3A_88 : i32 to index
      %get3A_90 = memref.load %arg3[%get3A_89] : memref<16xi32, #tpu.memory_space<smem>>
      %ne3A_91 = arith.constant 0 : i32
      %ne3A_92 = arith.cmpi ne, %get3A_90, %ne3A_91 : i32
      %or3A_93 = arith.ori %or3A_87, %ne3A_92 : i1
      %get3A_94 = arith.constant 0 : i32
      %get3A_95 = arith.index_cast %get3A_94 : i32 to index
      %get3A_96 = memref.load %arg3[%get3A_95] : memref<16xi32, #tpu.memory_space<smem>>
      %jit3A = arith.constant 6 : i32
      %select_n3A = arith.select %or3A_93, %get3A_96, %jit3A : i32
      %swap3A = arith.constant 0 : i32
      %swap3A_97 = arith.index_cast %swap3A : i32 to index
      %swap3A_98 = memref.load %arg4[%swap3A_97] : memref<16xi32, #tpu.memory_space<smem>>
      memref.store %select_n3A, %arg4[%swap3A_97] : memref<16xi32, #tpu.memory_space<smem>>
      %get3A_99 = arith.constant 1 : i32
      %get3A_100 = arith.index_cast %get3A_99 : i32 to index
      %get3A_101 = memref.load %arg3[%get3A_100] : memref<16xi32, #tpu.memory_space<smem>>
      %jit3A_102 = arith.constant 2 : i32
      %select_n3A_103 = arith.select %or3A_93, %get3A_101, %jit3A_102 : i32
      %swap3A_104 = arith.constant 1 : i32
      %swap3A_105 = arith.index_cast %swap3A_104 : i32 to index
      %swap3A_106 = memref.load %arg4[%swap3A_105] : memref<16xi32, #tpu.memory_space<smem>>
      memref.store %select_n3A_103, %arg4[%swap3A_105] : memref<16xi32, #tpu.memory_space<smem>>
      %get3A_107 = arith.constant 2 : i32
      %get3A_108 = arith.index_cast %get3A_107 : i32 to index
      %get3A_109 = memref.load %arg3[%get3A_108] : memref<16xi32, #tpu.memory_space<smem>>
      %jit3A_110 = arith.constant 1 : i32
      %select_n3A_111 = arith.select %or3A_93, %get3A_109, %jit3A_110 : i32
      %swap3A_112 = arith.constant 2 : i32
      %swap3A_113 = arith.index_cast %swap3A_112 : i32 to index
      %swap3A_114 = memref.load %arg4[%swap3A_113] : memref<16xi32, #tpu.memory_space<smem>>
      memref.store %select_n3A_111, %arg4[%swap3A_113] : memref<16xi32, #tpu.memory_space<smem>>
      %get3A_115 = arith.constant 3 : i32
      %get3A_116 = arith.index_cast %get3A_115 : i32 to index
      %get3A_117 = memref.load %arg3[%get3A_116] : memref<16xi32, #tpu.memory_space<smem>>
      %jit3A_118 = arith.constant 7 : i32
      %select_n3A_119 = arith.select %or3A_93, %get3A_117, %jit3A_118 : i32
      %swap3A_120 = arith.constant 3 : i32
      %swap3A_121 = arith.index_cast %swap3A_120 : i32 to index
      %swap3A_122 = memref.load %arg4[%swap3A_121] : memref<16xi32, #tpu.memory_space<smem>>
      memref.store %select_n3A_119, %arg4[%swap3A_121] : memref<16xi32, #tpu.memory_space<smem>>
      %get3A_123 = arith.constant 4 : i32
      %get3A_124 = arith.index_cast %get3A_123 : i32 to index
      %get3A_125 = memref.load %arg3[%get3A_124] : memref<16xi32, #tpu.memory_space<smem>>
      %jit3A_126 = arith.constant 3 : i32
      %select_n3A_127 = arith.select %or3A_93, %get3A_125, %jit3A_126 : i32
      %swap3A_128 = arith.constant 4 : i32
      %swap3A_129 = arith.index_cast %swap3A_128 : i32 to index
      %swap3A_130 = memref.load %arg4[%swap3A_129] : memref<16xi32, #tpu.memory_space<smem>>
      memref.store %select_n3A_127, %arg4[%swap3A_129] : memref<16xi32, #tpu.memory_space<smem>>
      %get3A_131 = arith.constant 5 : i32
      %get3A_132 = arith.index_cast %get3A_131 : i32 to index
      %get3A_133 = memref.load %arg3[%get3A_132] : memref<16xi32, #tpu.memory_space<smem>>
      %jit3A_134 = arith.constant 0 : i32
      %select_n3A_135 = arith.select %or3A_93, %get3A_133, %jit3A_134 : i32
      %swap3A_136 = arith.constant 5 : i32
      %swap3A_137 = arith.index_cast %swap3A_136 : i32 to index
      %swap3A_138 = memref.load %arg4[%swap3A_137] : memref<16xi32, #tpu.memory_space<smem>>
      memref.store %select_n3A_135, %arg4[%swap3A_137] : memref<16xi32, #tpu.memory_space<smem>>
      %get3A_139 = arith.constant 6 : i32
      %get3A_140 = arith.index_cast %get3A_139 : i32 to index
      %get3A_141 = memref.load %arg3[%get3A_140] : memref<16xi32, #tpu.memory_space<smem>>
      %jit3A_142 = arith.constant 5 : i32
      %select_n3A_143 = arith.select %or3A_93, %get3A_141, %jit3A_142 : i32
      %swap3A_144 = arith.constant 6 : i32
      %swap3A_145 = arith.index_cast %swap3A_144 : i32 to index
      %swap3A_146 = memref.load %arg4[%swap3A_145] : memref<16xi32, #tpu.memory_space<smem>>
      memref.store %select_n3A_143, %arg4[%swap3A_145] : memref<16xi32, #tpu.memory_space<smem>>
      %get3A_147 = arith.constant 7 : i32
      %get3A_148 = arith.index_cast %get3A_147 : i32 to index
      %get3A_149 = memref.load %arg3[%get3A_148] : memref<16xi32, #tpu.memory_space<smem>>
      %jit3A_150 = arith.constant 4 : i32
      %select_n3A_151 = arith.select %or3A_93, %get3A_149, %jit3A_150 : i32
      %swap3A_152 = arith.constant 7 : i32
      %swap3A_153 = arith.index_cast %swap3A_152 : i32 to index
      %swap3A_154 = memref.load %arg4[%swap3A_153] : memref<16xi32, #tpu.memory_space<smem>>
      memref.store %select_n3A_151, %arg4[%swap3A_153] : memref<16xi32, #tpu.memory_space<smem>>
      %get3A_155 = arith.constant 8 : i32
      %get3A_156 = arith.index_cast %get3A_155 : i32 to index
      %get3A_157 = memref.load %arg3[%get3A_156] : memref<16xi32, #tpu.memory_space<smem>>
      %jit3A_158 = arith.constant 1 : i32
      %select_n3A_159 = arith.select %or3A_93, %get3A_157, %jit3A_158 : i32
      %swap3A_160 = arith.constant 8 : i32
      %swap3A_161 = arith.index_cast %swap3A_160 : i32 to index
      %swap3A_162 = memref.load %arg4[%swap3A_161] : memref<16xi32, #tpu.memory_space<smem>>
      memref.store %select_n3A_159, %arg4[%swap3A_161] : memref<16xi32, #tpu.memory_space<smem>>
      %get3A_163 = arith.constant 9 : i32
      %get3A_164 = arith.index_cast %get3A_163 : i32 to index
      %get3A_165 = memref.load %arg3[%get3A_164] : memref<16xi32, #tpu.memory_space<smem>>
      %jit3A_166 = arith.constant 6 : i32
      %select_n3A_167 = arith.select %or3A_93, %get3A_165, %jit3A_166 : i32
      %swap3A_168 = arith.constant 9 : i32
      %swap3A_169 = arith.index_cast %swap3A_168 : i32 to index
      %swap3A_170 = memref.load %arg4[%swap3A_169] : memref<16xi32, #tpu.memory_space<smem>>
      memref.store %select_n3A_167, %arg4[%swap3A_169] : memref<16xi32, #tpu.memory_space<smem>>
      %get3A_171 = arith.constant 10 : i32
      %get3A_172 = arith.index_cast %get3A_171 : i32 to index
      %get3A_173 = memref.load %arg3[%get3A_172] : memref<16xi32, #tpu.memory_space<smem>>
      %jit3A_174 = arith.constant 3 : i32
      %select_n3A_175 = arith.select %or3A_93, %get3A_173, %jit3A_174 : i32
      %swap3A_176 = arith.constant 10 : i32
      %swap3A_177 = arith.index_cast %swap3A_176 : i32 to index
      %swap3A_178 = memref.load %arg4[%swap3A_177] : memref<16xi32, #tpu.memory_space<smem>>
      memref.store %select_n3A_175, %arg4[%swap3A_177] : memref<16xi32, #tpu.memory_space<smem>>
      %get3A_179 = arith.constant 11 : i32
      %get3A_180 = arith.index_cast %get3A_179 : i32 to index
      %get3A_181 = memref.load %arg3[%get3A_180] : memref<16xi32, #tpu.memory_space<smem>>
      %jit3A_182 = arith.constant 7 : i32
      %select_n3A_183 = arith.select %or3A_93, %get3A_181, %jit3A_182 : i32
      %swap3A_184 = arith.constant 11 : i32
      %swap3A_185 = arith.index_cast %swap3A_184 : i32 to index
      %swap3A_186 = memref.load %arg4[%swap3A_185] : memref<16xi32, #tpu.memory_space<smem>>
      memref.store %select_n3A_183, %arg4[%swap3A_185] : memref<16xi32, #tpu.memory_space<smem>>
      %get3A_187 = arith.constant 12 : i32
      %get3A_188 = arith.index_cast %get3A_187 : i32 to index
      %get3A_189 = memref.load %arg3[%get3A_188] : memref<16xi32, #tpu.memory_space<smem>>
      %jit3A_190 = arith.constant 0 : i32
      %select_n3A_191 = arith.select %or3A_93, %get3A_189, %jit3A_190 : i32
      %swap3A_192 = arith.constant 12 : i32
      %swap3A_193 = arith.index_cast %swap3A_192 : i32 to index
      %swap3A_194 = memref.load %arg4[%swap3A_193] : memref<16xi32, #tpu.memory_space<smem>>
      memref.store %select_n3A_191, %arg4[%swap3A_193] : memref<16xi32, #tpu.memory_space<smem>>
      %get3A_195 = arith.constant 13 : i32
      %get3A_196 = arith.index_cast %get3A_195 : i32 to index
      %get3A_197 = memref.load %arg3[%get3A_196] : memref<16xi32, #tpu.memory_space<smem>>
      %jit3A_198 = arith.constant 4 : i32
      %select_n3A_199 = arith.select %or3A_93, %get3A_197, %jit3A_198 : i32
      %swap3A_200 = arith.constant 13 : i32
      %swap3A_201 = arith.index_cast %swap3A_200 : i32 to index
      %swap3A_202 = memref.load %arg4[%swap3A_201] : memref<16xi32, #tpu.memory_space<smem>>
      memref.store %select_n3A_199, %arg4[%swap3A_201] : memref<16xi32, #tpu.memory_space<smem>>
      %get3A_203 = arith.constant 14 : i32
      %get3A_204 = arith.index_cast %get3A_203 : i32 to index
      %get3A_205 = memref.load %arg3[%get3A_204] : memref<16xi32, #tpu.memory_space<smem>>
      %jit3A_206 = arith.constant 2 : i32
      %select_n3A_207 = arith.select %or3A_93, %get3A_205, %jit3A_206 : i32
      %swap3A_208 = arith.constant 14 : i32
      %swap3A_209 = arith.index_cast %swap3A_208 : i32 to index
      %swap3A_210 = memref.load %arg4[%swap3A_209] : memref<16xi32, #tpu.memory_space<smem>>
      memref.store %select_n3A_207, %arg4[%swap3A_209] : memref<16xi32, #tpu.memory_space<smem>>
      %get3A_211 = arith.constant 15 : i32
      %get3A_212 = arith.index_cast %get3A_211 : i32 to index
      %get3A_213 = memref.load %arg3[%get3A_212] : memref<16xi32, #tpu.memory_space<smem>>
      %jit3A_214 = arith.constant 5 : i32
      %select_n3A_215 = arith.select %or3A_93, %get3A_213, %jit3A_214 : i32
      %swap3A_216 = arith.constant 15 : i32
      %swap3A_217 = arith.index_cast %swap3A_216 : i32 to index
      %swap3A_218 = memref.load %arg4[%swap3A_217] : memref<16xi32, #tpu.memory_space<smem>>
      memref.store %select_n3A_215, %arg4[%swap3A_217] : memref<16xi32, #tpu.memory_space<smem>>
      "tpu.region"() ({
        %run_scoped3A = tpu.sem_alloc : memref<!tpu.dma_semaphore, #tpu.memory_space<semaphore_mem>>
        tpu.enqueue_dma source(%arg4 : memref<16xi32, #tpu.memory_space<smem>>) target(%arg2 : memref<16xi32, #tpu.memory_space<hbm>>) target_semaphore(%run_scoped3A : memref<!tpu.dma_semaphore, #tpu.memory_space<semaphore_mem>>)
        tpu.wait_dma2 semaphore(%run_scoped3A : memref<!tpu.dma_semaphore, #tpu.memory_space<semaphore_mem>>) src(%arg4 : memref<16xi32, #tpu.memory_space<smem>>) dst(%arg2 : memref<16xi32, #tpu.memory_space<hbm>>)
        tpu.yield
      }) : () -> ()
    } else {
    }
    return
  }
}

module attributes {stable_mosaic.version = 14 : i64} {
  func.func @_body(%arg0: i32, %arg1: memref<10896x384xf32, #tpu.memory_space<vmem>>, %arg2: memref<10896x384xf32, #tpu.memory_space<vmem>>) attributes {dimension_semantics = [#tpu.dimension_semantics<arbitrary>], iteration_bounds = array<i64: 4>, scalar_prefetch = 0 : i64, scratch_operands = 0 : i64, tpu.core_type = #tpu.core_type<tc>, window_params = [{transform_indices = @transform_0, window_bounds = array<i64: 10896, 384>}, {transform_indices = @transform_1, window_bounds = array<i64: 10896, 384>}]} {
    %get3A = arith.constant 0 : index
    %get3A_0 = arith.constant 0 : index
    %get3A_1 = vector.load %arg1[%get3A, %get3A_0] : memref<10896x384xf32, #tpu.memory_space<vmem>>, vector<10896x384xf32>
    %swap3A = arith.constant 0 : index
    %swap3A_2 = arith.constant 0 : index
    %swap3A_3 = vector.load %arg2[%swap3A, %swap3A_2] : memref<10896x384xf32, #tpu.memory_space<vmem>>, vector<10896x384xf32>
    tpu.vector_store %arg2[%swap3A, %swap3A_2], %get3A_1 {strides = array<i32>} : memref<10896x384xf32, #tpu.memory_space<vmem>>, vector<10896x384xf32>,
    return
  }
  func.func @transform_0(%arg0: i32) -> (i32, i32) {
    %c0_i32 = arith.constant 0 : i32
    %c0_i32_0 = arith.constant 0 : i32
    return %arg0, %c0_i32 : i32, i32
  }
  func.func @transform_1(%arg0: i32) -> (i32, i32) {
    %c0_i32 = arith.constant 0 : i32
    %c0_i32_0 = arith.constant 0 : i32
    return %arg0, %c0_i32 : i32, i32
  }
}

</mosaic_0001>

<sc_bundles>
// kernel: kernel.4.cloned.1.call-start
scs
__scs_entry_jumppad:
0x0: {  	(pc) =	sbr.rel $0x88, $3  }
0x1: {  	(tag) =	ssettag $0x0;
	lr =	simm.s32 $0x1  }
0x2: {  	[smem:$0x3F9F] =	sst lr;
	_ =	strace $0xD0000000  }
0x3: {  	_ = 	snop  }
0x4: {  	_ = 	snop  }
0x5: {  	_ = 	snop  }
0x6: {  	_ = 	snop  }
0x7: {  	_ = 	snop  }
__scs_overlays_trampoline_lowered:
0x8: {  	[smem:$0x3FAE] =	sst s0  }
0x9: {  	[smem:$0x3FAF] =	sst s1  }
0xa: {  	[smem:$0x3FB0] =	sst s2  }
0xb: {  	[smem:$0x3FB1] =	sst s3  }
0xc: {  	[smem:$0x3FB2] =	sst s4  }
0xd: {  	[smem:$0x3FB3] =	sst s5  }
0xe: {  	[smem:$0x3FB4] =	sst s6  }
0xf: {  	[smem:$0x3FB5] =	sst s7  }
0x10: {  	[smem:$0x3FB6] =	sst s8  }
0x11: {  	[smem:$0x3FB7] =	sst s9;
	s0 =	simm.s32 @!p0 $0x0  }
0x12: {  	s1 =	sld [smem:$0x3F9D];
	s0 =	simm.s32 @p0 $0x1  }
0x13: {  	[smem:$0x3FB8] =	sst s0;
	s0 =	simm.s32 @!p1 $0x0  }
0x14: {  	s2 =	sld [smem:$0x3F9C];
	s0 =	simm.s32 @p1 $0x1  }
0x15: {  	[smem:$0x3FB9] =	sst s0;
	s0 =	simm.s32 @!p2 $0x0  }
0x16: {  	s3 =	sld [smem:$0x3FDB];
	s0 =	simm.s32 @p2 $0x1  }
0x17: {  	s4 =	simm.s32 $0x1BF5;
	[smem:$0x3FBB] =	sst s0  }
0x18: {  	s0 =	sld [smem:$0x3F9E];
	_ =	swait.ge [sflag:s4], $0x0  }
0x19: {  	s7 =	sld [smem:$0x3F9F]  }
0x1a: {  	s8 =	sadd.s32 $0xFFFFE003, lr  }
0x1b: {  	s9 =	sadd.s32 $0xFFFFFEF7, lr;
	s5 =	simm.s32 $0xFFFFFFFF;
	p2 =	slt.u32 s8, $0xFFFFF086  }
0x1c: {  	p1 =	slt.u32 s9, $0xF7A;
	s5 =	simm.s32 @!p2 $0x0  }
0x1d: {  	s5 =	simm.s32 @p1 $0x1;
	p0 =	seq.s32 s7, s2  }
0x1e: {  	s7 =	smul.u32 @!p0 $0xF7A, s2;
	p2 =	seq.s32 @!p0 s5, $0x0  }
0x1f: {  	s9 =	smul.u32 $0xF7A, s1;
	s8 =	simm.s32 @!p0 $0x1BF5;
	p2 =	por !p2, p0  }
0x20: {  	[sflag:s8] =	ssyncset.s32 @!p0 $0xFFFFF086;
	s6 =	sadd.s32 @!p0 s3, s7;
	s7 =	simm.s32 @!p0 $0x108  }
0x21: {  	s3 =	sadd.s32 s3, s9;
	s6 =	sadd.s32 @!p0 $0x88, s6;
	s7 =	simm.s32 @p2 $0x1082  }
0x22: {  	[simem:s7], [sflag:s8] =	dma.local @!p0 [hbm:s6], $0xF7A  }
0x23: {  	s9 =	sor.u32 $0xD0000000, s2;
	s6 =	simm.s32 $0x108;
	_ =	swait.ge @!p0 [sflag:s8], $0x0  }
0x24: {  	s3 =	sadd.s32 $0x88, s3;
	s6 =	simm.s32 @!p1 $0x1082;
	[sflag:s4] =	ssyncset.s32 $0xFFFFF086  }
0x25: {  	[simem:s6], [sflag:s4] =	dma.local [hbm:s3], $0xF7A  }
0x26: {  	[smem:$0x3F9F] =	sst s1;
	(tag) =	ssettag s2;
	_ =	strace s9  }
0x27: {  	s1 =	sld [smem:$0x3FAF]  }
0x28: {  	s2 =	sld [smem:$0x3FB0]  }
0x29: {  	s4 =	sld [smem:$0x3FB2]  }
0x2a: {  	p0 =	seq.s32 s5, $0x0;
	s5 =	sld [smem:$0x3FB3]  }
0x2b: {  	s6 =	sld [smem:$0x3FB4]  }
0x2c: {  	s7 =	sld [smem:$0x3FB5]  }
0x2d: {  	s3 =	simm.s32 $0x108;
	s8 =	sld [smem:$0x3FB6]  }
0x2e: {  	s3 =	simm.s32 @!p0 $0x1082;
	s9 =	sld [smem:$0x3FB7]  }
0x2f: {  	lr =	sadd.s32 s0, s3;
	s0 =	sld [smem:$0x3FAE]  }
0x30: {  	s3 =	sld [smem:$0x3FB1]  }
0x31: {  	[smem:$0x3FBA] =	sst s10  }
0x32: {  	s10 =	sld [smem:$0x3FB8];
	_ =	sdelay $0x3  }
0x33: {  	p0 =	seq.s32 s10, $0x1;
	s10 =	sld [smem:$0x3FBA];
	_ =	sdelay $0x3  }
0x34: {  	[smem:$0x3FBA] =	sst s10  }
0x35: {  	s10 =	sld [smem:$0x3FB9];
	_ =	sdelay $0x3  }
0x36: {  	p1 =	seq.s32 s10, $0x1;
	s10 =	sld [smem:$0x3FBA];
	_ =	sdelay $0x3  }
0x37: {  	[smem:$0x3FBA] =	sst s10  }
0x38: {  	s10 =	sld [smem:$0x3FBB]  }
0x39: {  	_ = 	snop;
	(pc) =	sbr.ind lr, $3  }
0x3a: {  	_ = 	snop  }
0x3b: {  	_ = 	snop  }
0x3c: {  	p2 =	seq.s32 s10, $0x1;
	s10 =	sld [smem:$0x3FBA]  }
0x3d: {  	_ =	shalt  }
0x3e: {  	_ =	shalt  }
0x3f: {  	_ =	shalt  }
0x40: {  	_ =	shalt  }
0x41: {  	_ =	shalt  }
0x42: {  	_ =	shalt  }
0x43: {  	_ =	shalt  }
0x44: {  	_ =	shalt  }
0x45: {  	_ =	shalt  }
0x46: {  	_ =	shalt  }
0x47: {  	_ =	shalt  }
0x48: {  	_ =	shalt  }
0x49: {  	_ =	shalt  }
0x4a: {  	_ =	shalt  }
0x4b: {  	_ =	shalt  }
0x4c: {  	_ =	shalt  }
0x4d: {  	_ =	shalt  }
0x4e: {  	_ =	shalt  }
0x4f: {  	_ =	shalt  }
0x50: {  	_ =	shalt  }
0x51: {  	_ =	shalt  }
0x52: {  	_ =	shalt  }
0x53: {  	_ =	shalt  }
0x54: {  	_ =	shalt  }
0x55: {  	_ =	shalt  }
0x56: {  	_ =	shalt  }
0x57: {  	_ =	shalt  }
0x58: {  	_ =	shalt  }
0x59: {  	_ =	shalt  }
0x5a: {  	_ =	shalt  }
0x5b: {  	_ =	shalt  }
0x5c: {  	_ =	shalt  }
0x5d: {  	_ =	shalt  }
0x5e: {  	_ =	shalt  }
0x5f: {  	_ =	shalt  }
0x60: {  	_ =	shalt  }
0x61: {  	_ =	shalt  }
0x62: {  	_ =	shalt  }
0x63: {  	_ =	shalt  }
0x64: {  	_ =	shalt  }
0x65: {  	_ =	shalt  }
0x66: {  	_ =	shalt  }
0x67: {  	_ =	shalt  }
0x68: {  	_ =	shalt  }
0x69: {  	_ =	shalt  }
0x6a: {  	_ =	shalt  }
0x6b: {  	_ =	shalt  }
0x6c: {  	_ =	shalt  }
0x6d: {  	_ =	shalt  }
0x6e: {  	_ =	shalt  }
0x6f: {  	_ =	shalt  }
0x70: {  	_ =	shalt  }
0x71: {  	_ =	shalt  }
0x72: {  	_ =	shalt  }
0x73: {  	_ =	shalt  }
0x74: {  	_ =	shalt  }
0x75: {  	_ =	shalt  }
0x76: {  	_ =	shalt  }
0x77: {  	_ =	shalt  }
0x78: {  	_ =	shalt  }
0x79: {  	_ =	shalt  }
0x7a: {  	_ =	shalt  }
0x7b: {  	_ =	shalt  }
0x7c: {  	_ =	shalt  }
0x7d: {  	_ =	shalt  }
0x7e: {  	_ =	shalt  }
0x7f: {  	_ =	shalt  }
0x80: {  	_ =	shalt  }
0x81: {  	_ =	shalt  }
0x82: {  	_ =	shalt  }
0x83: {  	_ =	shalt  }
0x84: {  	_ =	shalt  }
0x85: {  	_ =	shalt  }
0x86: {  	_ =	shalt  }
0x87: {  	_ =	shalt  }
.Lfunc_end0:
.L_simem_size_0:
called_computation_lowered:
.L_overlay_start_0:
0x88: {  	s2 =	sld [smem:$0x3FD9]  }
0x89: {  	s3 =	sld [smem:$0x3FFE];
	_ =	sdelay $0x1  }
0x8a: {  	s1 =	srdreg.scid  }
0x8b: {  	s0 =	sand.u32 $0x1, s1  }
0x8c: {  	s26 =	sshll.u32 s0, $0xA;
	s2 =	sadd.s32 s3, s2  }
0x8d: {  	s2 =	sadd.s32 s2, s26  }
0x8e: {  	[smem:$0x3FC6] =	sst s2  }
0x8f: {  	_ = 	snop  }
0x90: {  	s2 =	sld [smem:$0x3FD0];
	_ =	sdelay $0x2  }
0x91: {  	s28 =	simm.s32 $0xB;
	s4 =	simm.s32 $0x110  }
0x92: {  	[smem:s4], [sflag:s28] =	dma.local [hbm:s2], $0x1  }
0x93: {  	_ =	swait.eq [sflag:s28], $0x1  }
0x94: {  	[sflag:s28] =	ssyncset.done $0x0  }
0x95: {  	[sflag:s28] =	ssyncadd.s32 $0xFFFFFFFF  }
0x96: {  	s3 =	sld [smem:$0x111];
	(tm) =	ssettm $0x1  }
0x97: {  	s29 =	sld [smem:$0x3FFB];
	_ =	sdelay $0x3  }
0x98: {  	_ =	strace s29  }
0x99: {  	s2 =	sld [smem:$0x3FFC];
	_ =	sdelay $0x3  }
0x9a: {  	_ =	strace s2  }
0x9b: {  	s2 =	sld [smem:$0x3FFD];
	_ =	sdelay $0x3  }
0x9c: {  	_ =	strace s2  }
0x9d: {  	s30 =	simm.s32 $0x1B8B;
	_ =	strace $0x8FFFFFFF  }
0x9e: {  	p0 =	seq.s32 s0, $0x1;
	_ =	swait.ge [sflag:s30], $0x1  }
.Ltmp0:
0x9f: {  	[sflag:s30] =	ssyncset.done $0x0;
	(pc) =	sbr.rel @p0 .LBB1_2-.Ltmp0, $3  }
0xa0: {  	s31 =	simm.s32 $0x1B8E;
	[sflag:s30] =	ssyncadd.s32 $0xFFFFFFFF  }
0xa1: {  	[smem:$0x3FD2] =	sst s31  }
0xa2: {  	s2 =	sld [smem:$0x3FFE];
	_ =	strace $0x80000046  }
0xa3: {  	s4 =	simm.s32 $0xA;
	s5 =	simm.s32 $0x10  }
0xa4: {  	[smem:s5], [sflag:s4] =	dma.local [hbm:s3], $0x10  }
0xa5: {  	_ =	swait.ge [sflag:s4], $0x10  }
0xa6: {  	[sflag:s4] =	ssyncset.done $0x0  }
0xa7: {  	[sflag:s4] =	ssyncadd.s32 $0xFFFFFFF0  }
0xa8: {  	s18 =	sld [smem:$0x11]  }
0xa9: {  	s4 =	sld [smem:$0x12]  }
0xaa: {  	s19 =	sld [smem:$0x13]  }
0xab: {  	s6 =	sld [smem:$0x14]  }
0xac: {  	s7 =	sld [smem:$0x15]  }
0xad: {  	s8 =	sld [smem:$0x16];
	s3 =	sor.u32 s4, s18  }
0xae: {  	s20 =	sld [smem:$0x17];
	s3 =	sor.u32 s19, s3  }
0xaf: {  	s21 =	sld [smem:$0x18];
	s3 =	sor.u32 s6, s3  }
0xb0: {  	s22 =	sld [smem:$0x19];
	s3 =	sor.u32 s7, s3  }
0xb1: {  	s23 =	sld [smem:$0x1A];
	s3 =	sor.u32 s8, s3  }
0xb2: {  	s24 =	sld [smem:$0x1B];
	s3 =	sor.u32 s20, s3  }
0xb3: {  	s25 =	sld [smem:$0x1C];
	s3 =	sor.u32 s21, s3  }
0xb4: {  	s26 =	sld [smem:$0x1D];
	s3 =	sor.u32 s22, s3  }
0xb5: {  	s28 =	sld [smem:$0x1E];
	s3 =	sor.u32 s23, s3  }
0xb6: {  	s29 =	sld [smem:$0x1F];
	s3 =	sor.u32 s24, s3  }
0xb7: {  	s8 =	sld [smem:$0x10];
	s3 =	sor.u32 s25, s3  }
0xb8: {  	s3 =	sor.u32 s26, s3  }
0xb9: {  	s3 =	sor.u32 s28, s3  }
0xba: {  	s3 =	sor.u32 s29, s3  }
0xbb: {  	s3 =	sor.u32 s8, s3  }
0xbc: {  	p0 =	seq.s32 s3, $0x0  }
0xbd: {  	s8 =	simm.s32 @p0 $0x6  }
0xbe: {  	[smem:$0x90] =	sst s8  }
0xbf: {  	s3 =	sld [smem:$0x11];
	_ =	sdelay $0x3  }
0xc0: {  	s3 =	simm.s32 @p0 $0x2  }
0xc1: {  	[smem:$0x91] =	sst s3  }
0xc2: {  	s3 =	sld [smem:$0x12];
	_ =	sdelay $0x3  }
0xc3: {  	s3 =	simm.s32 @p0 $0x1  }
0xc4: {  	[smem:$0x92] =	sst s3  }
0xc5: {  	s3 =	sld [smem:$0x13];
	_ =	sdelay $0x3  }
0xc6: {  	s3 =	simm.s32 @p0 $0x7  }
0xc7: {  	[smem:$0x93] =	sst s3  }
0xc8: {  	s3 =	sld [smem:$0x14];
	_ =	sdelay $0x3  }
0xc9: {  	s3 =	simm.s32 @p0 $0x3  }
0xca: {  	[smem:$0x94] =	sst s3  }
0xcb: {  	s3 =	sld [smem:$0x15];
	_ =	sdelay $0x3  }
0xcc: {  	s3 =	simm.s32 @p0 $0x0  }
0xcd: {  	[smem:$0x95] =	sst s3  }
0xce: {  	s3 =	sld [smem:$0x16];
	_ =	sdelay $0x3  }
0xcf: {  	s3 =	simm.s32 @p0 $0x5  }
0xd0: {  	[smem:$0x96] =	sst s3  }
0xd1: {  	s3 =	sld [smem:$0x17];
	_ =	sdelay $0x3  }
0xd2: {  	s3 =	simm.s32 @p0 $0x4  }
0xd3: {  	[smem:$0x97] =	sst s3  }
0xd4: {  	s3 =	sld [smem:$0x18];
	_ =	sdelay $0x3  }
0xd5: {  	s3 =	simm.s32 @p0 $0x1  }
0xd6: {  	[smem:$0x98] =	sst s3  }
0xd7: {  	s3 =	sld [smem:$0x19];
	_ =	sdelay $0x3  }
0xd8: {  	s3 =	simm.s32 @p0 $0x6  }
0xd9: {  	[smem:$0x99] =	sst s3  }
0xda: {  	s3 =	sld [smem:$0x1A];
	_ =	sdelay $0x3  }
0xdb: {  	s3 =	simm.s32 @p0 $0x3  }
0xdc: {  	[smem:$0x9A] =	sst s3  }
0xdd: {  	s3 =	sld [smem:$0x1B];
	_ =	sdelay $0x3  }
0xde: {  	s3 =	simm.s32 @p0 $0x7  }
0xdf: {  	[smem:$0x9B] =	sst s3  }
0xe0: {  	s3 =	sld [smem:$0x1C];
	_ =	sdelay $0x3  }
0xe1: {  	s3 =	simm.s32 @p0 $0x0  }
0xe2: {  	[smem:$0x9C] =	sst s3  }
0xe3: {  	s3 =	sld [smem:$0x1D];
	_ =	sdelay $0x3  }
0xe4: {  	s3 =	simm.s32 @p0 $0x4  }
0xe5: {  	[smem:$0x9D] =	sst s3  }
0xe6: {  	s3 =	sld [smem:$0x1E];
	_ =	sdelay $0x3  }
0xe7: {  	s3 =	simm.s32 @p0 $0x2  }
0xe8: {  	[smem:$0x9E] =	sst s3  }
0xe9: {  	s3 =	sld [smem:$0x1F];
	_ =	sdelay $0x3  }
0xea: {  	s30 =	simm.s32 $0x90;
	s3 =	simm.s32 @p0 $0x5  }
0xeb: {  	s31 =	simm.s32 $0x9;
	s2 =	sadd.s32 $0x400, s2;
	[smem:$0x9F] =	sst s3  }
0xec: {  	[hbm:s2], [sflag:s31] =	dma.local [smem:s30], $0x10  }
0xed: {  	_ =	swait.ge [sflag:s31], $0x10  }
0xee: {  	[sflag:s31] =	ssyncset.done $0x0  }
0xef: {  	[sflag:s31] =	ssyncadd.s32 $0xFFFFFFF0  }
.LBB1_2:
0xf0: {  	_ =	strace $0x90000046  }
0xf1: {  	_ =	sfence  }
0xf2: {  	s2 =	sld [smem:$0x0];
	_ =	sdelay $0x2  }
0xf3: {  	s3 =	sshll.u32 s1, $0xD;
	s31 =	sshrl.u32 s1, $0x2  }
0xf4: {  	s3 =	sand.u32 $0x4000, s3;
	s1 =	sadd.s32 s31, s2  }
0xf5: {  	s0 =	sor.u32 s3, s0;
	s1 =	sshll.u32 s1, $0x11  }
0xf6: {  	s0 =	sor.u32 s1, s0  }
0xf7: {  	s0 =	sadd.s32 $0x8F2B, s0;
	(pc) =	sbr.abs _section_cstart, $3  }
0xf8: {  	[sflag:s0] =	ssyncadd.remote.s32 $0x1  }
0xf9: {  	_ =	strace $0x9FFFFFFF  }
0xfa: {  	(tm) =	ssettm $0x7FFFFFFF  }
0xfb: {  	_ =	shalt  }

</sc_bundles>
